<compile_context>
chip_gen: v7x
topology: tpu7x:2x2x1
jax: 0.10.2.dev20260603
libtpu: 0.0.44.dev20260713+nightly
codegen_flags: <defaults>
</compile_context>

<pallas_src>
import functools

import jax
import jax.numpy as jnp
from jax import lax
from jax.experimental import pallas as pl
from jax.experimental.pallas import tpu as pltpu
from jax.experimental.pallas import tpu_sc as plsc

NX = 512
NY = 512
C = 64
B = 4
P = 30000

P_PAD = 30720
PLANE = NY * NX
BATCH_STRIDE = C * PLANE
N_OUT = B * BATCH_STRIDE
WIN = B * PLANE

NCORES = 2
NSUB = 16
CPS = C // NCORES
PPT = P_PAD // NSUB
PIECE = WIN // NSUB
ZB = 16384


def _prep_body(feat_ref, coordsT_ref, vals_ref, sidx_ref):
    vals_ref[...] = feat_ref[...].reshape(NSUB, PPT, C).transpose(0, 2, 1)
    bb = coordsT_ref[0:1, :]
    xx = coordsT_ref[1:2, :]
    yy = coordsT_ref[2:3, :]
    sidx_ref[...] = bb * PLANE + yy * NX + xx


_prep = pl.pallas_call(
    _prep_body,
    out_shape=[
        jax.ShapeDtypeStruct((NSUB, C, PPT), jnp.float32),
        jax.ShapeDtypeStruct((1, P_PAD), jnp.int32),
    ],
)


def _sc_scatter_body(vals_hbm, sidx_hbm, out_hbm, zbuf, sidxb, valb_a,
                     valb_b, window, semz, sems, semd, semv):
    ci = lax.axis_index("c")
    si = lax.axis_index("s")

    pltpu.sync_copy(sidx_hbm.at[pl.ds(si * PPT, PPT)], sidxb)

    z16 = jnp.zeros((16,), jnp.float32)

    def zero_zbuf(i, carry):
        zbuf[pl.ds(i * 16, 16)] = z16
        return carry

    lax.fori_loop(0, ZB // 16, zero_zbuf, 0)

    def zero_piece(i, carry):
        pltpu.async_copy(
            zbuf, window.at[pl.ds(si * PIECE + i * ZB, ZB)], semz)
        return carry

    lax.fori_loop(0, PIECE // ZB, zero_piece, 0)

    def zero_wait(i, carry):
        pltpu.make_async_copy(
            zbuf, window.at[pl.ds(si * PIECE + i * ZB, ZB)], semz).wait()
        return carry

    lax.fori_loop(0, PIECE // ZB, zero_wait, 0)
    plsc.subcore_barrier()

    drain_base = (si // 4) * BATCH_STRIDE + (si % 4) * PIECE

    def scatter_drain(buf, c):
        pltpu.async_copy(buf, window.at[sidxb], sems).wait()
        plsc.subcore_barrier()
        pltpu.async_copy(
            window.at[pl.ds(si * PIECE, PIECE)],
            out_hbm.at[pl.ds(drain_base + c * PLANE, PIECE)],
            semd,
        ).wait()
        plsc.subcore_barrier()

    def vload_a(c):
        return pltpu.make_async_copy(
            vals_hbm.at[si, jnp.minimum(c, C - 1)], valb_a, semv)

    def vload_b(c):
        return pltpu.make_async_copy(
            vals_hbm.at[si, jnp.minimum(c, C - 1)], valb_b, semv)

    pltpu.sync_copy(vals_hbm.at[si, ci * CPS], valb_a)

    def pair(h, carry):
        c_even = ci * CPS + 2 * h
        vload_b(c_even + 1).start()
        scatter_drain(valb_a, c_even)
        vload_b(c_even + 1).wait()
        vload_a(c_even + 2).start()
        scatter_drain(valb_b, c_even + 1)
        return carry

    lax.fori_loop(0, CPS // 2, pair, 0)
    vload_a(ci * CPS + CPS).wait()


@functools.cache
def _make_sc_scatter():
    return pl.kernel(
        _sc_scatter_body,
        mesh=plsc.VectorSubcoreMesh(
            core_axis_name="c", subcore_axis_name="s",
            num_cores=NCORES, num_subcores=NSUB,
        ),
        out_type=jax.ShapeDtypeStruct((N_OUT,), jnp.float32),
        scratch_types=[
            pltpu.VMEM((ZB,), jnp.float32),
            pltpu.VMEM((PPT,), jnp.int32),
            pltpu.VMEM((PPT,), jnp.float32),
            pltpu.VMEM((PPT,), jnp.float32),
            pltpu.VMEM_SHARED((WIN,), jnp.float32),
            pltpu.SemaphoreType.DMA,
            pltpu.SemaphoreType.DMA,
            pltpu.SemaphoreType.DMA,
            pltpu.SemaphoreType.DMA,
        ],
    )


def kernel(pillar_features, coords, batch_size):
    del batch_size
    feat = pillar_features.astype(jnp.float32)
    coords = coords.astype(jnp.int32)
    pad = P_PAD - P
    feat_pad = jnp.concatenate([feat, feat[-pad:]], axis=0)
    coords_pad = jnp.concatenate([coords, coords[-pad:]], axis=0)
    vals3, sidx = _prep(feat_pad, coords_pad.T)
    out = _make_sc_scatter()(vals3, sidx.reshape(P_PAD))
    return out.reshape(B, C, NY, NX)

# --- scband reference (transcript-rebuilt; emitter-appended) ---
"""Pipeline reference for scband-point-pillars-scatter-31121333027326 (READ-ONLY COPY).

The authoritative reference and input builder live on the scoring server;
editing this copy changes nothing except your own understanding.
"""

import jax, jax.numpy as jnp
import numpy as np

NX, NY, NZ = 512, 512, 1
C = 64
B = 4
P = 30000

def setup_inputs(seed: int = 0) -> dict:
    key = jax.random.key(seed)
    k1, k2 = jax.random.split(key)
    pillar_features = jax.random.normal(k1, (P, C), dtype=jnp.float32)
    # Sample P unique flat cell indices so scatter-overwrite has no duplicate
    # destinations (matches the torch loop semantics deterministically).
    total_cells = B * NY * NX
    flat = jax.random.permutation(k2, total_cells)[:P]
    b = flat // (NY * NX)
    rem = flat % (NY * NX)
    y = rem // NX
    x = rem % NX
    z = jnp.zeros_like(b)
    coords = jnp.stack([b, x, y, z], axis=1).astype(jnp.int32)
    return {"pillar_features": pillar_features, "coords": coords, "batch_size": B}

def reference(pillar_features, coords, batch_size):
    coords = coords.astype(jnp.int32)
    b = coords[:, 0]
    x = coords[:, 1]
    y = coords[:, 2]
    flat_idx = b * (NY * NX) + y * NX + x
    in_batch = b < batch_size
    updates = jnp.where(in_batch[:, None], pillar_features, jnp.zeros_like(pillar_features))
    canvas = jnp.zeros((B * NY * NX, pillar_features.shape[1]), dtype=pillar_features.dtype)
    canvas = canvas.at[flat_idx].set(updates)
    canvas = canvas.reshape(B, NY, NX, pillar_features.shape[1])
    return jnp.transpose(canvas, (0, 3, 1, 2))

if __name__ == "__main__":
    import jax
    _d = setup_inputs()
    print(jax.jit(kernel)(*tuple(_d.values())))

</pallas_src>

<mosaic_0001>
#map = affine_map<(d0, d1) -> (0, 0, 0)>
#map1 = affine_map<(d0, d1) -> (0)>
module attributes {stable_mosaic.version = 14 : i64} {
  func.func @_sc_scatter_body(%arg0: i32, %arg1: i32, %arg2: memref<16x64x1920xf32, #tpu.memory_space<hbm>>, %arg3: memref<30720xi32, #tpu.memory_space<hbm>>, %arg4: memref<67108864xf32, #tpu.memory_space<hbm>>, %arg5: memref<16384xf32, #tpu.memory_space<vmem>>, %arg6: memref<1920xi32, #tpu.memory_space<vmem>>, %arg7: memref<1920xf32, #tpu.memory_space<vmem>>, %arg8: memref<1920xf32, #tpu.memory_space<vmem>>, %arg9: memref<1048576xf32, #tpu.memory_space<vmem_shared>>, %arg10: memref<!tpu.dma_semaphore, #tpu.memory_space<semaphore_mem>>, %arg11: memref<!tpu.dma_semaphore, #tpu.memory_space<semaphore_mem>>, %arg12: memref<!tpu.dma_semaphore, #tpu.memory_space<semaphore_mem>>, %arg13: memref<!tpu.dma_semaphore, #tpu.memory_space<semaphore_mem>>) attributes {dimension_semantics = [#tpu.dimension_semantics<core_parallel>, #tpu.dimension_semantics<subcore_parallel>], iteration_bounds = array<i64: 2, 16>, scalar_prefetch = 0 : i64, scratch_operands = 9 : i64, tpu.core_type = #tpu.core_type<sc_vector_subcore>, window_params = [{transform_indices = #map}, {transform_indices = #map1}, {transform_indices = #map1}]} {
    %mul3A = arith.constant 1920 : i32
    %mul3A_0 = arith.muli %arg1, %mul3A : i32
    "tpu.region"() ({
      %run_scoped3A = tpu.sem_alloc : memref<!tpu.dma_semaphore, #tpu.memory_space<semaphore_mem>>
      %dma_start3A = tpu.memref_slice %arg3[%mul3A_0] : memref<30720xi32, #tpu.memory_space<hbm>> -> memref<1920xi32, #tpu.memory_space<hbm>>
      %dma_start3A_71 = tpu.memref_slice %arg3[%mul3A_0] : memref<30720xi32, #tpu.memory_space<hbm>> -> memref<1920xi32, #tpu.memory_space<hbm>>
      tpu.enqueue_dma source(%dma_start3A_71 : memref<1920xi32, #tpu.memory_space<hbm>>) target(%arg6 : memref<1920xi32, #tpu.memory_space<vmem>>) target_semaphore(%run_scoped3A : memref<!tpu.dma_semaphore, #tpu.memory_space<semaphore_mem>>)
      %dma_wait3A_72 = tpu.memref_slice %arg3[%mul3A_0] : memref<30720xi32, #tpu.memory_space<hbm>> -> memref<1920xi32, #tpu.memory_space<hbm>>
      %dma_wait3A_73 = tpu.memref_slice %arg3[%mul3A_0] : memref<30720xi32, #tpu.memory_space<hbm>> -> memref<1920xi32, #tpu.memory_space<hbm>>
      tpu.wait_dma2 semaphore(%run_scoped3A : memref<!tpu.dma_semaphore, #tpu.memory_space<semaphore_mem>>) src(%dma_wait3A_73 : memref<1920xi32, #tpu.memory_space<hbm>>) dst(%arg6 : memref<1920xi32, #tpu.memory_space<vmem>>)
      tpu.yield
    }) : () -> ()
    %broadcast_in_dim3A = arith.constant 0.000000e+00 : f32
    %broadcast_in_dim3A_1 = vector.broadcast %broadcast_in_dim3A : f32 to vector<16xf32>
    %scan3A = arith.constant 0 : i32
    %scan3A_2 = arith.constant 0 : i32
    %scan3A_3 = arith.constant 1024 : i32
    %scan3A_4 = arith.addi %scan3A_2, %scan3A_3 : i32
    %scan3A_5 = arith.constant 1 : i32
    scf.for %scan3A_71 = %scan3A_2 to %scan3A_4 step %scan3A_5  : i32 {
      %mul3A_72 = arith.constant 16 : i32
      %mul3A_73 = arith.muli %scan3A_71, %mul3A_72 : i32
      %swap3A = arith.index_cast %mul3A_73 : i32 to index
      %swap3A_74 = tpu.vector_load %arg5[%swap3A] {strides = array<i32>} : memref<16384xf32, #tpu.memory_space<vmem>>, vector<16xf32>,
      %swap3A_75 = vector.shape_cast %swap3A_74 : vector<16xf32> to vector<16xf32>
      %swap3A_76 = vector.shape_cast %broadcast_in_dim3A_1 : vector<16xf32> to vector<16xf32>
      tpu.vector_store %arg5[%swap3A], %swap3A_76 {strides = array<i32>} : memref<16384xf32, #tpu.memory_space<vmem>>, vector<16xf32>,
    }
    %scan3A_6 = arith.constant 1024 : i32
    %scan3A_7 = arith.constant 0 : i32
    %scan3A_8 = arith.constant 0 : i32
    %scan3A_9 = arith.constant 4 : i32
    %scan3A_10 = arith.addi %scan3A_8, %scan3A_9 : i32
    %scan3A_11 = arith.constant 1 : i32
    scf.for %scan3A_71 = %scan3A_8 to %scan3A_10 step %scan3A_11  : i32 {
      %mul3A_72 = arith.constant 65536 : i32
      %mul3A_73 = arith.muli %arg1, %mul3A_72 : i32
      %mul3A_74 = arith.constant 16384 : i32
      %mul3A_75 = arith.muli %scan3A_71, %mul3A_74 : i32
      %add3A_76 = arith.addi %mul3A_73, %mul3A_75 : i32
      %dma_start3A = tpu.memref_slice %arg9[%add3A_76] : memref<1048576xf32, #tpu.memory_space<vmem_shared>> -> memref<16384xf32, #tpu.memory_space<vmem_shared>>
      %dma_start3A_77 = tpu.memref_slice %arg9[%add3A_76] : memref<1048576xf32, #tpu.memory_space<vmem_shared>> -> memref<16384xf32, #tpu.memory_space<vmem_shared>>
      tpu.enqueue_dma source(%arg5 : memref<16384xf32, #tpu.memory_space<vmem>>) target(%dma_start3A_77 : memref<16384xf32, #tpu.memory_space<vmem_shared>>) target_semaphore(%arg10 : memref<!tpu.dma_semaphore, #tpu.memory_space<semaphore_mem>>)
    }
    %scan3A_12 = arith.constant 4 : i32
    %scan3A_13 = arith.constant 0 : i32
    %scan3A_14 = arith.constant 0 : i32
    %scan3A_15 = arith.constant 4 : i32
    %scan3A_16 = arith.addi %scan3A_14, %scan3A_15 : i32
    %scan3A_17 = arith.constant 1 : i32
    scf.for %scan3A_71 = %scan3A_14 to %scan3A_16 step %scan3A_17  : i32 {
      %mul3A_72 = arith.constant 65536 : i32
      %mul3A_73 = arith.muli %arg1, %mul3A_72 : i32
      %mul3A_74 = arith.constant 16384 : i32
      %mul3A_75 = arith.muli %scan3A_71, %mul3A_74 : i32
      %add3A_76 = arith.addi %mul3A_73, %mul3A_75 : i32
      %dma_wait3A_77 = tpu.memref_slice %arg9[%add3A_76] : memref<1048576xf32, #tpu.memory_space<vmem_shared>> -> memref<16384xf32, #tpu.memory_space<vmem_shared>>
      %dma_wait3A_78 = tpu.memref_slice %arg9[%add3A_76] : memref<1048576xf32, #tpu.memory_space<vmem_shared>> -> memref<16384xf32, #tpu.memory_space<vmem_shared>>
      tpu.wait_dma2 semaphore(%arg10 : memref<!tpu.dma_semaphore, #tpu.memory_space<semaphore_mem>>) src(%arg5 : memref<16384xf32, #tpu.memory_space<vmem>>) dst(%dma_wait3A_78 : memref<16384xf32, #tpu.memory_space<vmem_shared>>)
    }
    %scan3A_18 = arith.constant 4 : i32
    %barrier3A = arith.constant 0 : index
    tpu.barrier barrier_id(%barrier3A)
    %jit3A = arith.constant 4 : i32
    %div3A = arith.divsi %arg1, %jit3A : i32
    %sign3A = arith.constant 0 : i32
    %sign3A_19 = arith.cmpi sgt, %arg1, %sign3A : i32
    %sign3A_20 = arith.extui %sign3A_19 : i1 to i32
    %sign3A_21 = arith.constant 0 : i32
    %sign3A_22 = arith.cmpi slt, %arg1, %sign3A_21 : i32
    %sign3A_23 = arith.extui %sign3A_22 : i1 to i32
    %sign3A_24 = arith.subi %sign3A_20, %sign3A_23 : i32
    %sign3A_25 = arith.constant 0 : i32
    %sign3A_26 = arith.cmpi sgt, %jit3A, %sign3A_25 : i32
    %sign3A_27 = arith.extui %sign3A_26 : i1 to i32
    %sign3A_28 = arith.constant 0 : i32
    %sign3A_29 = arith.cmpi slt, %jit3A, %sign3A_28 : i32
    %sign3A_30 = arith.extui %sign3A_29 : i1 to i32
    %sign3A_31 = arith.subi %sign3A_27, %sign3A_30 : i32
    %ne3A = arith.cmpi ne, %sign3A_24, %sign3A_31 : i32
    %rem3A = arith.remsi %arg1, %jit3A : i32
    %ne3A_32 = arith.constant 0 : i32
    %ne3A_33 = arith.cmpi ne, %rem3A, %ne3A_32 : i32
    %and3A = arith.andi %ne3A, %ne3A_33 : i1
    %sub3A = arith.constant 1 : i32
    %sub3A_34 = arith.subi %div3A, %sub3A : i32
    %select_n3A = arith.select %and3A, %sub3A_34, %div3A : i32
    %mul3A_35 = arith.constant 16777216 : i32
    %mul3A_36 = arith.muli %select_n3A, %mul3A_35 : i32
    %jit3A_37 = arith.constant 4 : i32
    %eq3A = arith.constant 0 : i32
    %eq3A_38 = arith.cmpi eq, %jit3A_37, %eq3A : i32
    %jit3A_39 = arith.constant 1 : i32
    %select_n3A_40 = arith.select %eq3A_38, %jit3A_39, %jit3A_37 : i32
    %rem3A_41 = arith.remsi %arg1, %select_n3A_40 : i32
    %ne3A_42 = arith.constant 0 : i32
    %ne3A_43 = arith.cmpi ne, %rem3A_41, %ne3A_42 : i32
    %lt3A = arith.constant 0 : i32
    %lt3A_44 = arith.cmpi slt, %rem3A_41, %lt3A : i32
    %lt3A_45 = arith.constant 0 : i32
    %lt3A_46 = arith.cmpi slt, %select_n3A_40, %lt3A_45 : i32
    %ne3A_47 = arith.xori %lt3A_44, %lt3A_46 : i1
    %and3A_48 = arith.andi %ne3A_47, %ne3A_43 : i1
    %add3A = arith.addi %rem3A_41, %select_n3A_40 : i32
    %select_n3A_49 = arith.select %and3A_48, %add3A, %rem3A_41 : i32
    %mul3A_50 = arith.constant 65536 : i32
    %mul3A_51 = arith.muli %select_n3A_49, %mul3A_50 : i32
    %add3A_52 = arith.addi %mul3A_36, %mul3A_51 : i32
    %mul3A_53 = arith.constant 32 : i32
    %mul3A_54 = arith.muli %arg0, %mul3A_53 : i32
    "tpu.region"() ({
      %run_scoped3A = tpu.sem_alloc : memref<!tpu.dma_semaphore, #tpu.memory_space<semaphore_mem>>
      %dma_start3A = arith.constant 0 : i32
      %dma_start3A_71 = tpu.memref_slice %arg2[%arg1, %mul3A_54, %dma_start3A] : memref<16x64x1920xf32, #tpu.memory_space<hbm>> -> memref<1x1x1920xf32, #tpu.memory_space<hbm>>
      %dma_start3A_72 = tpu.memref_squeeze %dma_start3A_71 : memref<1x1x1920xf32, #tpu.memory_space<hbm>> -> memref<1920xf32, #tpu.memory_space<hbm>>
      %dma_start3A_73 = arith.constant 0 : i32
      %dma_start3A_74 = tpu.memref_slice %arg2[%arg1, %mul3A_54, %dma_start3A_73] : memref<16x64x1920xf32, #tpu.memory_space<hbm>> -> memref<1x1x1920xf32, #tpu.memory_space<hbm>>
      %dma_start3A_75 = tpu.memref_squeeze %dma_start3A_74 : memref<1x1x1920xf32, #tpu.memory_space<hbm>> -> memref<1920xf32, #tpu.memory_space<hbm>>
      tpu.enqueue_dma source(%dma_start3A_75 : memref<1920xf32, #tpu.memory_space<hbm>>) target(%arg7 : memref<1920xf32, #tpu.memory_space<vmem>>) target_semaphore(%run_scoped3A : memref<!tpu.dma_semaphore, #tpu.memory_space<semaphore_mem>>)
      %dma_wait3A_76 = arith.constant 0 : i32
      %dma_wait3A_77 = tpu.memref_slice %arg2[%arg1, %mul3A_54, %dma_wait3A_76] : memref<16x64x1920xf32, #tpu.memory_space<hbm>> -> memref<1x1x1920xf32, #tpu.memory_space<hbm>>
      %dma_wait3A_78 = tpu.memref_squeeze %dma_wait3A_77 : memref<1x1x1920xf32, #tpu.memory_space<hbm>> -> memref<1920xf32, #tpu.memory_space<hbm>>
      %dma_wait3A_79 = arith.constant 0 : i32
      %dma_wait3A_80 = tpu.memref_slice %arg2[%arg1, %mul3A_54, %dma_wait3A_79] : memref<16x64x1920xf32, #tpu.memory_space<hbm>> -> memref<1x1x1920xf32, #tpu.memory_space<hbm>>
      %dma_wait3A_81 = tpu.memref_squeeze %dma_wait3A_80 : memref<1x1x1920xf32, #tpu.memory_space<hbm>> -> memref<1920xf32, #tpu.memory_space<hbm>>
      tpu.wait_dma2 semaphore(%run_scoped3A : memref<!tpu.dma_semaphore, #tpu.memory_space<semaphore_mem>>) src(%dma_wait3A_81 : memref<1920xf32, #tpu.memory_space<hbm>>) dst(%arg7 : memref<1920xf32, #tpu.memory_space<vmem>>)
      tpu.yield
    }) : () -> ()
    %scan3A_55 = arith.constant 0 : i32
    %scan3A_56 = arith.constant 0 : i32
    %scan3A_57 = arith.constant 16 : i32
    %scan3A_58 = arith.addi %scan3A_56, %scan3A_57 : i32
    %scan3A_59 = arith.constant 1 : i32
    scf.for %scan3A_71 = %scan3A_56 to %scan3A_58 step %scan3A_59  : i32 {
      %mul3A_72 = arith.constant 32 : i32
      %mul3A_73 = arith.muli %arg0, %mul3A_72 : i32
      %mul3A_74 = arith.constant 2 : i32
      %mul3A_75 = arith.muli %mul3A_74, %scan3A_71 : i32
      %add3A_76 = arith.addi %mul3A_73, %mul3A_75 : i32
      %add3A_77 = arith.constant 1 : i32
      %add3A_78 = arith.addi %add3A_76, %add3A_77 : i32
      %min3A_79 = arith.constant 63 : i32
      %min3A_80 = arith.minsi %add3A_78, %min3A_79 : i32
      %dma_start3A = arith.constant 0 : i32
      %dma_start3A_81 = tpu.memref_slice %arg2[%arg1, %min3A_80, %dma_start3A] : memref<16x64x1920xf32, #tpu.memory_space<hbm>> -> memref<1x1x1920xf32, #tpu.memory_space<hbm>>
      %dma_start3A_82 = tpu.memref_squeeze %dma_start3A_81 : memref<1x1x1920xf32, #tpu.memory_space<hbm>> -> memref<1920xf32, #tpu.memory_space<hbm>>
      %dma_start3A_83 = arith.constant 0 : i32
      %dma_start3A_84 = tpu.memref_slice %arg2[%arg1, %min3A_80, %dma_start3A_83] : memref<16x64x1920xf32, #tpu.memory_space<hbm>> -> memref<1x1x1920xf32, #tpu.memory_space<hbm>>
      %dma_start3A_85 = tpu.memref_squeeze %dma_start3A_84 : memref<1x1x1920xf32, #tpu.memory_space<hbm>> -> memref<1920xf32, #tpu.memory_space<hbm>>
      tpu.enqueue_dma source(%dma_start3A_85 : memref<1920xf32, #tpu.memory_space<hbm>>) target(%arg8 : memref<1920xf32, #tpu.memory_space<vmem>>) target_semaphore(%arg13 : memref<!tpu.dma_semaphore, #tpu.memory_space<semaphore_mem>>)
      %dma_start3A_86 = arith.constant 0 : i32
      %dma_start3A_87 = tpu.memref_slice %arg9[%dma_start3A_86] : memref<1048576xf32, #tpu.memory_space<vmem_shared>> -> memref<1048576xf32, #tpu.memory_space<vmem_shared>>
      tpu.enqueue_indirect_dma source(%arg7 : memref<1920xf32, #tpu.memory_space<vmem>>) target(%dma_start3A_87 : memref<1048576xf32, #tpu.memory_space<vmem_shared>>) offsets(%arg6 : memref<1920xi32, #tpu.memory_space<vmem>>) semaphore(%arg11 : memref<!tpu.dma_semaphore, #tpu.memory_space<semaphore_mem>>)
      %dma_wait3A_88 = arith.constant 0 : i32
      %dma_wait3A_89 = tpu.memref_slice %arg9[%dma_wait3A_88] : memref<1048576xf32, #tpu.memory_space<vmem_shared>> -> memref<1048576xf32, #tpu.memory_space<vmem_shared>>
      tpu.wait_indirect_dma semaphore(%arg11 : memref<!tpu.dma_semaphore, #tpu.memory_space<semaphore_mem>>) src(%arg7 : memref<1920xf32, #tpu.memory_space<vmem>>) dst(%dma_wait3A_89 : memref<1048576xf32, #tpu.memory_space<vmem_shared>>)
      %barrier3A_90 = arith.constant 0 : index
      tpu.barrier barrier_id(%barrier3A_90)
      %mul3A_91 = arith.constant 65536 : i32
      %mul3A_92 = arith.muli %arg1, %mul3A_91 : i32
      %mul3A_93 = arith.constant 262144 : i32
      %mul3A_94 = arith.muli %add3A_76, %mul3A_93 : i32
      %add3A_95 = arith.addi %add3A_52, %mul3A_94 : i32
      %dma_start3A_96 = tpu.memref_slice %arg4[%add3A_95] : memref<67108864xf32, #tpu.memory_space<hbm>> -> memref<65536xf32, #tpu.memory_space<hbm>>
      %dma_start3A_97 = tpu.memref_slice %arg9[%mul3A_92] : memref<1048576xf32, #tpu.memory_space<vmem_shared>> -> memref<65536xf32, #tpu.memory_space<vmem_shared>>
      tpu.enqueue_dma source(%dma_start3A_97 : memref<65536xf32, #tpu.memory_space<vmem_shared>>) target(%dma_start3A_96 : memref<65536xf32, #tpu.memory_space<hbm>>) target_semaphore(%arg12 : memref<!tpu.dma_semaphore, #tpu.memory_space<semaphore_mem>>)
      %dma_wait3A_98 = tpu.memref_slice %arg4[%add3A_95] : memref<67108864xf32, #tpu.memory_space<hbm>> -> memref<65536xf32, #tpu.memory_space<hbm>>
      %dma_wait3A_99 = tpu.memref_slice %arg9[%mul3A_92] : memref<1048576xf32, #tpu.memory_space<vmem_shared>> -> memref<65536xf32, #tpu.memory_space<vmem_shared>>
      tpu.wait_dma2 semaphore(%arg12 : memref<!tpu.dma_semaphore, #tpu.memory_space<semaphore_mem>>) src(%dma_wait3A_99 : memref<65536xf32, #tpu.memory_space<vmem_shared>>) dst(%dma_wait3A_98 : memref<65536xf32, #tpu.memory_space<hbm>>)
      %barrier3A_100 = arith.constant 0 : index
      tpu.barrier barrier_id(%barrier3A_100)
      %add3A_101 = arith.constant 1 : i32
      %add3A_102 = arith.addi %add3A_76, %add3A_101 : i32
      %min3A_103 = arith.constant 63 : i32
      %min3A_104 = arith.minsi %add3A_102, %min3A_103 : i32
      %dma_wait3A_105 = arith.constant 0 : i32
      %dma_wait3A_106 = tpu.memref_slice %arg2[%arg1, %min3A_104, %dma_wait3A_105] : memref<16x64x1920xf32, #tpu.memory_space<hbm>> -> memref<1x1x1920xf32, #tpu.memory_space<hbm>>
      %dma_wait3A_107 = tpu.memref_squeeze %dma_wait3A_106 : memref<1x1x1920xf32, #tpu.memory_space<hbm>> -> memref<1920xf32, #tpu.memory_space<hbm>>
      %dma_wait3A_108 = arith.constant 0 : i32
      %dma_wait3A_109 = tpu.memref_slice %arg2[%arg1, %min3A_104, %dma_wait3A_108] : memref<16x64x1920xf32, #tpu.memory_space<hbm>> -> memref<1x1x1920xf32, #tpu.memory_space<hbm>>
      %dma_wait3A_110 = tpu.memref_squeeze %dma_wait3A_109 : memref<1x1x1920xf32, #tpu.memory_space<hbm>> -> memref<1920xf32, #tpu.memory_space<hbm>>
      tpu.wait_dma2 semaphore(%arg13 : memref<!tpu.dma_semaphore, #tpu.memory_space<semaphore_mem>>) src(%dma_wait3A_110 : memref<1920xf32, #tpu.memory_space<hbm>>) dst(%arg8 : memref<1920xf32, #tpu.memory_space<vmem>>)
      %add3A_111 = arith.constant 2 : i32
      %add3A_112 = arith.addi %add3A_76, %add3A_111 : i32
      %min3A_113 = arith.constant 63 : i32
      %min3A_114 = arith.minsi %add3A_112, %min3A_113 : i32
      %dma_start3A_115 = arith.constant 0 : i32
      %dma_start3A_116 = tpu.memref_slice %arg2[%arg1, %min3A_114, %dma_start3A_115] : memref<16x64x1920xf32, #tpu.memory_space<hbm>> -> memref<1x1x1920xf32, #tpu.memory_space<hbm>>
      %dma_start3A_117 = tpu.memref_squeeze %dma_start3A_116 : memref<1x1x1920xf32, #tpu.memory_space<hbm>> -> memref<1920xf32, #tpu.memory_space<hbm>>
      %dma_start3A_118 = arith.constant 0 : i32
      %dma_start3A_119 = tpu.memref_slice %arg2[%arg1, %min3A_114, %dma_start3A_118] : memref<16x64x1920xf32, #tpu.memory_space<hbm>> -> memref<1x1x1920xf32, #tpu.memory_space<hbm>>
      %dma_start3A_120 = tpu.memref_squeeze %dma_start3A_119 : memref<1x1x1920xf32, #tpu.memory_space<hbm>> -> memref<1920xf32, #tpu.memory_space<hbm>>
      tpu.enqueue_dma source(%dma_start3A_120 : memref<1920xf32, #tpu.memory_space<hbm>>) target(%arg7 : memref<1920xf32, #tpu.memory_space<vmem>>) target_semaphore(%arg13 : memref<!tpu.dma_semaphore, #tpu.memory_space<semaphore_mem>>)
      %add3A_121 = arith.constant 1 : i32
      %add3A_122 = arith.addi %add3A_76, %add3A_121 : i32
      %dma_start3A_123 = arith.constant 0 : i32
      %dma_start3A_124 = tpu.memref_slice %arg9[%dma_start3A_123] : memref<1048576xf32, #tpu.memory_space<vmem_shared>> -> memref<1048576xf32, #tpu.memory_space<vmem_shared>>
      tpu.enqueue_indirect_dma source(%arg8 : memref<1920xf32, #tpu.memory_space<vmem>>) target(%dma_start3A_124 : memref<1048576xf32, #tpu.memory_space<vmem_shared>>) offsets(%arg6 : memref<1920xi32, #tpu.memory_space<vmem>>) semaphore(%arg11 : memref<!tpu.dma_semaphore, #tpu.memory_space<semaphore_mem>>)
      %dma_wait3A_125 = arith.constant 0 : i32
      %dma_wait3A_126 = tpu.memref_slice %arg9[%dma_wait3A_125] : memref<1048576xf32, #tpu.memory_space<vmem_shared>> -> memref<1048576xf32, #tpu.memory_space<vmem_shared>>
      tpu.wait_indirect_dma semaphore(%arg11 : memref<!tpu.dma_semaphore, #tpu.memory_space<semaphore_mem>>) src(%arg8 : memref<1920xf32, #tpu.memory_space<vmem>>) dst(%dma_wait3A_126 : memref<1048576xf32, #tpu.memory_space<vmem_shared>>)
      %barrier3A_127 = arith.constant 0 : index
      tpu.barrier barrier_id(%barrier3A_127)
      %mul3A_128 = arith.constant 65536 : i32
      %mul3A_129 = arith.muli %arg1, %mul3A_128 : i32
      %mul3A_130 = arith.constant 262144 : i32
      %mul3A_131 = arith.muli %add3A_122, %mul3A_130 : i32
      %add3A_132 = arith.addi %add3A_52, %mul3A_131 : i32
      %dma_start3A_133 = tpu.memref_slice %arg4[%add3A_132] : memref<67108864xf32, #tpu.memory_space<hbm>> -> memref<65536xf32, #tpu.memory_space<hbm>>
      %dma_start3A_134 = tpu.memref_slice %arg9[%mul3A_129] : memref<1048576xf32, #tpu.memory_space<vmem_shared>> -> memref<65536xf32, #tpu.memory_space<vmem_shared>>
      tpu.enqueue_dma source(%dma_start3A_134 : memref<65536xf32, #tpu.memory_space<vmem_shared>>) target(%dma_start3A_133 : memref<65536xf32, #tpu.memory_space<hbm>>) target_semaphore(%arg12 : memref<!tpu.dma_semaphore, #tpu.memory_space<semaphore_mem>>)
      %dma_wait3A_135 = tpu.memref_slice %arg4[%add3A_132] : memref<67108864xf32, #tpu.memory_space<hbm>> -> memref<65536xf32, #tpu.memory_space<hbm>>
      %dma_wait3A_136 = tpu.memref_slice %arg9[%mul3A_129] : memref<1048576xf32, #tpu.memory_space<vmem_shared>> -> memref<65536xf32, #tpu.memory_space<vmem_shared>>
      tpu.wait_dma2 semaphore(%arg12 : memref<!tpu.dma_semaphore, #tpu.memory_space<semaphore_mem>>) src(%dma_wait3A_136 : memref<65536xf32, #tpu.memory_space<vmem_shared>>) dst(%dma_wait3A_135 : memref<65536xf32, #tpu.memory_space<hbm>>)
      %barrier3A_137 = arith.constant 0 : index
      tpu.barrier barrier_id(%barrier3A_137)
    }
    %scan3A_60 = arith.constant 16 : i32
    %mul3A_61 = arith.constant 32 : i32
    %mul3A_62 = arith.muli %arg0, %mul3A_61 : i32
    %add3A_63 = arith.constant 32 : i32
    %add3A_64 = arith.addi %mul3A_62, %add3A_63 : i32
    %min3A = arith.constant 63 : i32
    %min3A_65 = arith.minsi %add3A_64, %min3A : i32
    %dma_wait3A = arith.constant 0 : i32
    %dma_wait3A_66 = tpu.memref_slice %arg2[%arg1, %min3A_65, %dma_wait3A] : memref<16x64x1920xf32, #tpu.memory_space<hbm>> -> memref<1x1x1920xf32, #tpu.memory_space<hbm>>
    %dma_wait3A_67 = tpu.memref_squeeze %dma_wait3A_66 : memref<1x1x1920xf32, #tpu.memory_space<hbm>> -> memref<1920xf32, #tpu.memory_space<hbm>>
    %dma_wait3A_68 = arith.constant 0 : i32
    %dma_wait3A_69 = tpu.memref_slice %arg2[%arg1, %min3A_65, %dma_wait3A_68] : memref<16x64x1920xf32, #tpu.memory_space<hbm>> -> memref<1x1x1920xf32, #tpu.memory_space<hbm>>
    %dma_wait3A_70 = tpu.memref_squeeze %dma_wait3A_69 : memref<1x1x1920xf32, #tpu.memory_space<hbm>> -> memref<1920xf32, #tpu.memory_space<hbm>>
    tpu.wait_dma2 semaphore(%arg13 : memref<!tpu.dma_semaphore, #tpu.memory_space<semaphore_mem>>) src(%dma_wait3A_70 : memref<1920xf32, #tpu.memory_space<hbm>>) dst(%arg7 : memref<1920xf32, #tpu.memory_space<vmem>>)
    return
  }
}

module attributes {stable_mosaic.version = 14 : i64} {
  func.func @_prep_body(%arg0: memref<30720x64xf32, #tpu.memory_space<vmem>>, %arg1: memref<4x30720xi32, #tpu.memory_space<vmem>>, %arg2: memref<16x64x1920xf32, #tpu.memory_space<vmem>>, %arg3: memref<1x30720xi32, #tpu.memory_space<vmem>>) attributes {dimension_semantics = [], scalar_prefetch = 0 : i64, scratch_operands = 0 : i64, tpu.core_type = #tpu.core_type<tc>} {
    %get3A = arith.constant 0 : index
    %get3A_0 = arith.constant 0 : index
    %get3A_1 = vector.load %arg0[%get3A, %get3A_0] : memref<30720x64xf32, #tpu.memory_space<vmem>>, vector<30720x64xf32>
    %reshape3A = vector.shape_cast %get3A_1 : vector<30720x64xf32> to vector<16x1920x64xf32>
    %transpose3A = tpu.transpose %reshape3A, [0, 2, 1] : vector<16x1920x64xf32> -> vector<16x64x1920xf32>
    %swap3A = arith.constant 0 : index
    %swap3A_2 = arith.constant 0 : index
    %swap3A_3 = arith.constant 0 : index
    %swap3A_4 = vector.load %arg2[%swap3A, %swap3A_2, %swap3A_3] : memref<16x64x1920xf32, #tpu.memory_space<vmem>>, vector<16x64x1920xf32>
    tpu.vector_store %arg2[%swap3A, %swap3A_2, %swap3A_3], %transpose3A {strides = array<i32>} : memref<16x64x1920xf32, #tpu.memory_space<vmem>>, vector<16x64x1920xf32>,
    %get3A_5 = arith.constant 0 : index
    %get3A_6 = arith.constant 0 : index
    %get3A_7 = vector.load %arg1[%get3A_5, %get3A_6] : memref<4x30720xi32, #tpu.memory_space<vmem>>, vector<1x30720xi32>
    %get3A_8 = arith.constant 1 : index
    %get3A_9 = arith.constant 0 : index
    %get3A_10 = vector.load %arg1[%get3A_8, %get3A_9] : memref<4x30720xi32, #tpu.memory_space<vmem>>, vector<1x30720xi32>
    %get3A_11 = arith.constant 2 : index
    %get3A_12 = arith.constant 0 : index
    %get3A_13 = vector.load %arg1[%get3A_11, %get3A_12] : memref<4x30720xi32, #tpu.memory_space<vmem>>, vector<1x30720xi32>
    %mul3A = arith.constant 262144 : i32
    %mul3A_14 = vector.broadcast %mul3A : i32 to vector<1x30720xi32>
    %mul3A_15 = arith.muli %get3A_7, %mul3A_14 : vector<1x30720xi32>
    %mul3A_16 = arith.constant 512 : i32
    %mul3A_17 = vector.broadcast %mul3A_16 : i32 to vector<1x30720xi32>
    %mul3A_18 = arith.muli %get3A_13, %mul3A_17 : vector<1x30720xi32>
    %add3A = arith.addi %mul3A_15, %mul3A_18 : vector<1x30720xi32>
    %add3A_19 = arith.addi %add3A, %get3A_10 : vector<1x30720xi32>
    %swap3A_20 = arith.constant 0 : index
    %swap3A_21 = arith.constant 0 : index
    %swap3A_22 = vector.load %arg3[%swap3A_20, %swap3A_21] : memref<1x30720xi32, #tpu.memory_space<vmem>>, vector<1x30720xi32>
    tpu.vector_store %arg3[%swap3A_20, %swap3A_21], %add3A_19 {strides = array<i32>} : memref<1x30720xi32, #tpu.memory_space<vmem>>, vector<1x30720xi32>,
    return
  }
}

</mosaic_0001>

<sc_bundles>
// kernel: kernel.4.cloned.1.call-start
scs
__scs_entry_jumppad:
0x0: {  	(pc) =	sbr.rel $0x88, $3  }
0x1: {  	(tag) =	ssettag $0x0;
	lr =	simm.s32 $0x1  }
0x2: {  	[smem:$0x3F9F] =	sst lr;
	_ =	strace $0xD0000000  }
0x3: {  	_ = 	snop  }
0x4: {  	_ = 	snop  }
0x5: {  	_ = 	snop  }
0x6: {  	_ = 	snop  }
0x7: {  	_ = 	snop  }
__scs_overlays_trampoline_lowered:
0x8: {  	[smem:$0x3FAE] =	sst s0  }
0x9: {  	[smem:$0x3FAF] =	sst s1  }
0xa: {  	[smem:$0x3FB0] =	sst s2  }
0xb: {  	[smem:$0x3FB1] =	sst s3  }
0xc: {  	[smem:$0x3FB2] =	sst s4  }
0xd: {  	[smem:$0x3FB3] =	sst s5  }
0xe: {  	[smem:$0x3FB4] =	sst s6  }
0xf: {  	[smem:$0x3FB5] =	sst s7  }
0x10: {  	[smem:$0x3FB6] =	sst s8  }
0x11: {  	[smem:$0x3FB7] =	sst s9;
	s0 =	simm.s32 @!p0 $0x0  }
0x12: {  	s1 =	sld [smem:$0x3F9D];
	s0 =	simm.s32 @p0 $0x1  }
0x13: {  	[smem:$0x3FB8] =	sst s0;
	s0 =	simm.s32 @!p1 $0x0  }
0x14: {  	s2 =	sld [smem:$0x3F9C];
	s0 =	simm.s32 @p1 $0x1  }
0x15: {  	[smem:$0x3FB9] =	sst s0;
	s0 =	simm.s32 @!p2 $0x0  }
0x16: {  	s3 =	sld [smem:$0x3FDB];
	s0 =	simm.s32 @p2 $0x1  }
0x17: {  	s4 =	simm.s32 $0x1BF5;
	[smem:$0x3FBB] =	sst s0  }
0x18: {  	s0 =	sld [smem:$0x3F9E];
	_ =	swait.ge [sflag:s4], $0x0  }
0x19: {  	s7 =	sld [smem:$0x3F9F]  }
0x1a: {  	s8 =	sadd.s32 $0xFFFFE003, lr  }
0x1b: {  	s9 =	sadd.s32 $0xFFFFFEF7, lr;
	s5 =	simm.s32 $0xFFFFFFFF;
	p2 =	slt.u32 s8, $0xFFFFF086  }
0x1c: {  	p1 =	slt.u32 s9, $0xF7A;
	s5 =	simm.s32 @!p2 $0x0  }
0x1d: {  	s5 =	simm.s32 @p1 $0x1;
	p0 =	seq.s32 s7, s2  }
0x1e: {  	s7 =	smul.u32 @!p0 $0xF7A, s2;
	p2 =	seq.s32 @!p0 s5, $0x0  }
0x1f: {  	s9 =	smul.u32 $0xF7A, s1;
	s8 =	simm.s32 @!p0 $0x1BF5;
	p2 =	por !p2, p0  }
0x20: {  	[sflag:s8] =	ssyncset.s32 @!p0 $0xFFFFF086;
	s6 =	sadd.s32 @!p0 s3, s7;
	s7 =	simm.s32 @!p0 $0x108  }
0x21: {  	s3 =	sadd.s32 s3, s9;
	s6 =	sadd.s32 @!p0 $0x88, s6;
	s7 =	simm.s32 @p2 $0x1082  }
0x22: {  	[simem:s7], [sflag:s8] =	dma.local @!p0 [hbm:s6], $0xF7A  }
0x23: {  	s9 =	sor.u32 $0xD0000000, s2;
	s6 =	simm.s32 $0x108;
	_ =	swait.ge @!p0 [sflag:s8], $0x0  }
0x24: {  	s3 =	sadd.s32 $0x88, s3;
	s6 =	simm.s32 @!p1 $0x1082;
	[sflag:s4] =	ssyncset.s32 $0xFFFFF086  }
0x25: {  	[simem:s6], [sflag:s4] =	dma.local [hbm:s3], $0xF7A  }
0x26: {  	[smem:$0x3F9F] =	sst s1;
	(tag) =	ssettag s2;
	_ =	strace s9  }
0x27: {  	s1 =	sld [smem:$0x3FAF]  }
0x28: {  	s2 =	sld [smem:$0x3FB0]  }
0x29: {  	s4 =	sld [smem:$0x3FB2]  }
0x2a: {  	p0 =	seq.s32 s5, $0x0;
	s5 =	sld [smem:$0x3FB3]  }
0x2b: {  	s6 =	sld [smem:$0x3FB4]  }
0x2c: {  	s7 =	sld [smem:$0x3FB5]  }
0x2d: {  	s3 =	simm.s32 $0x108;
	s8 =	sld [smem:$0x3FB6]  }
0x2e: {  	s3 =	simm.s32 @!p0 $0x1082;
	s9 =	sld [smem:$0x3FB7]  }
0x2f: {  	lr =	sadd.s32 s0, s3;
	s0 =	sld [smem:$0x3FAE]  }
0x30: {  	s3 =	sld [smem:$0x3FB1]  }
0x31: {  	[smem:$0x3FBA] =	sst s10  }
0x32: {  	s10 =	sld [smem:$0x3FB8];
	_ =	sdelay $0x3  }
0x33: {  	p0 =	seq.s32 s10, $0x1;
	s10 =	sld [smem:$0x3FBA];
	_ =	sdelay $0x3  }
0x34: {  	[smem:$0x3FBA] =	sst s10  }
0x35: {  	s10 =	sld [smem:$0x3FB9];
	_ =	sdelay $0x3  }
0x36: {  	p1 =	seq.s32 s10, $0x1;
	s10 =	sld [smem:$0x3FBA];
	_ =	sdelay $0x3  }
0x37: {  	[smem:$0x3FBA] =	sst s10  }
0x38: {  	s10 =	sld [smem:$0x3FBB]  }
0x39: {  	_ = 	snop;
	(pc) =	sbr.ind lr, $3  }
0x3a: {  	_ = 	snop  }
0x3b: {  	_ = 	snop  }
0x3c: {  	p2 =	seq.s32 s10, $0x1;
	s10 =	sld [smem:$0x3FBA]  }
0x3d: {  	_ =	shalt  }
0x3e: {  	_ =	shalt  }
0x3f: {  	_ =	shalt  }
0x40: {  	_ =	shalt  }
0x41: {  	_ =	shalt  }
0x42: {  	_ =	shalt  }
0x43: {  	_ =	shalt  }
0x44: {  	_ =	shalt  }
0x45: {  	_ =	shalt  }
0x46: {  	_ =	shalt  }
0x47: {  	_ =	shalt  }
0x48: {  	_ =	shalt  }
0x49: {  	_ =	shalt  }
0x4a: {  	_ =	shalt  }
0x4b: {  	_ =	shalt  }
0x4c: {  	_ =	shalt  }
0x4d: {  	_ =	shalt  }
0x4e: {  	_ =	shalt  }
0x4f: {  	_ =	shalt  }
0x50: {  	_ =	shalt  }
0x51: {  	_ =	shalt  }
0x52: {  	_ =	shalt  }
0x53: {  	_ =	shalt  }
0x54: {  	_ =	shalt  }
0x55: {  	_ =	shalt  }
0x56: {  	_ =	shalt  }
0x57: {  	_ =	shalt  }
0x58: {  	_ =	shalt  }
0x59: {  	_ =	shalt  }
0x5a: {  	_ =	shalt  }
0x5b: {  	_ =	shalt  }
0x5c: {  	_ =	shalt  }
0x5d: {  	_ =	shalt  }
0x5e: {  	_ =	shalt  }
0x5f: {  	_ =	shalt  }
0x60: {  	_ =	shalt  }
0x61: {  	_ =	shalt  }
0x62: {  	_ =	shalt  }
0x63: {  	_ =	shalt  }
0x64: {  	_ =	shalt  }
0x65: {  	_ =	shalt  }
0x66: {  	_ =	shalt  }
0x67: {  	_ =	shalt  }
0x68: {  	_ =	shalt  }
0x69: {  	_ =	shalt  }
0x6a: {  	_ =	shalt  }
0x6b: {  	_ =	shalt  }
0x6c: {  	_ =	shalt  }
0x6d: {  	_ =	shalt  }
0x6e: {  	_ =	shalt  }
0x6f: {  	_ =	shalt  }
0x70: {  	_ =	shalt  }
0x71: {  	_ =	shalt  }
0x72: {  	_ =	shalt  }
0x73: {  	_ =	shalt  }
0x74: {  	_ =	shalt  }
0x75: {  	_ =	shalt  }
0x76: {  	_ =	shalt  }
0x77: {  	_ =	shalt  }
0x78: {  	_ =	shalt  }
0x79: {  	_ =	shalt  }
0x7a: {  	_ =	shalt  }
0x7b: {  	_ =	shalt  }
0x7c: {  	_ =	shalt  }
0x7d: {  	_ =	shalt  }
0x7e: {  	_ =	shalt  }
0x7f: {  	_ =	shalt  }
0x80: {  	_ =	shalt  }
0x81: {  	_ =	shalt  }
0x82: {  	_ =	shalt  }
0x83: {  	_ =	shalt  }
0x84: {  	_ =	shalt  }
0x85: {  	_ =	shalt  }
0x86: {  	_ =	shalt  }
0x87: {  	_ =	shalt  }
.Lfunc_end0:
.L_simem_size_0:
called_computation_lowered:
.L_overlay_start_0:
0x88: {  	s2 =	sld [smem:$0x3FD9]  }
0x89: {  	s3 =	sld [smem:$0x3FFE];
	_ =	sdelay $0x1  }
0x8a: {  	s1 =	srdreg.scid  }
0x8b: {  	s0 =	sand.u32 $0x1, s1  }
0x8c: {  	s17 =	sshll.u32 s0, $0xA;
	s2 =	sadd.s32 s3, s2  }
0x8d: {  	s2 =	sadd.s32 s2, s17  }
0x8e: {  	[smem:$0x3FC6] =	sst s2  }
0x8f: {  	_ = 	snop  }
0x90: {  	s2 =	sld [smem:$0x3FD0];
	(tm) =	ssettm $0x1  }
0x91: {  	s18 =	sld [smem:$0x3FFB];
	_ =	sdelay $0x3  }
0x92: {  	_ =	strace s18  }
0x93: {  	s3 =	sld [smem:$0x3FFC];
	_ =	sdelay $0x3  }
0x94: {  	_ =	strace s3  }
0x95: {  	s3 =	sld [smem:$0x3FFD];
	_ =	sdelay $0x3  }
0x96: {  	_ =	strace s3  }
0x97: {  	_ =	strace $0x8FFFFFFF  }
0x98: {  	s19 =	sld [smem:$0x3FDB];
	_ =	sdelay $0x1  }
0x99: {  	s4 =	simm.s32 $_scs_section_size  }
0x9a: {  	s5 =	simm.s32 $_size__tile_overlayer_lowered;
	s6 =	simm.s32 $_tile_overlayer_lowered  }
0x9b: {  	s22 =	simm.s32 $0x1BFF;
	s21 =	sshll.u32 s6, $0x1;
	s3 =	sadd.s32 s4, s19  }
0x9c: {  	s7 =	simm.s32 $0x0;
	s20 =	sshll.u32 s5, $0x1;
	s5 =	sadd.s32 s21, s3  }
0x9d: {  	[timem:s7], [sflag:s22] =	dma.local [hbm:s5], s20  }
0x9e: {  	_ =	swait.ge [sflag:s22], s20  }
0x9f: {  	s4 =	ssub.s32 $0x0, s20;
	[sflag:s22] =	ssyncset.done $0x0  }
0xa0: {  	[sflag:s22] =	ssyncadd.s32 s4;
	_ =	sdelay $0x1  }
0xa1: {  	s23 =	simm.s32 $0x1B8B  }
0xa2: {  	_ =	swait.ge [sflag:s23], $0x1  }
0xa3: {  	[sflag:s23] =	ssyncset.done $0x0  }
0xa4: {  	s25 =	simm.s32 $0x1B8E;
	s24 =	sld [smem:$0x3FFE];
	[sflag:s23] =	ssyncadd.s32 $0xFFFFFFFF  }
0xa5: {  	s26 =	simm.s32 $execute0_lowered;
	[smem:$0x3FD2] =	sst s25  }
0xa6: {  	s5 =	sshll.u32 s26, $0x1;
	_ =	strace $0x80000046;
	[dreg:$0x1] =	wrdreg $0xFFFFFFFF  }
0xa7: {  	s28 =	simm.s32 $_size_execute0_lowered;
	s3 =	sadd.s32 s3, s5;
	[dreg:$0x0] =	wrdreg $0x0  }
0xa8: {  	s5 =	sshll.u32 s28, $0x1;
	[dreg:$0x2] =	wrdreg s3  }
0xa9: {  	[dreg:$0x3] =	wrdreg s5  }
0xaa: {  	[dreg:$0x4] =	wrdreg $0xC0  }
0xab: {  	_ =	task [dreg:s7], $0x5FFFF  }
0xac: {  	[dreg:$0x1] =	wrdreg $0xFFFFFFFF  }
0xad: {  	[dreg:$0x0] =	wrdreg $0x60  }
0xae: {  	[dreg:$0x2] =	wrdreg s2  }
0xaf: {  	[dreg:$0x3] =	wrdreg s24  }
0xb0: {  	[dreg:$0x4] =	wrdreg $0x56800  }
0xb1: {  	[dreg:$0x5] =	wrdreg $0x9  }
0xb2: {  	_ =	task.clear_ibuf [dreg:s7], $0x6FFFF;
	_ =	strace $0x90000046  }
0xb3: {  	s29 =	simm.s32 $0x9;
	_ =	strace $0x80000048  }
0xb4: {  	_ =	swait.ge [sflag:s29], $0x1  }
0xb5: {  	[sflag:s29] =	ssyncadd.s32 $0xFFFFFFFF  }
0xb6: {  	_ =	strace $0x90000048  }
0xb7: {  	_ =	sfence  }
0xb8: {  	s30 =	sld [smem:$0x0];
	_ =	sdelay $0x2  }
0xb9: {  	s31 =	sshll.u32 s1, $0xD;
	s1 =	sshrl.u32 s1, $0x2  }
0xba: {  	s3 =	sand.u32 $0x4000, s31;
	s1 =	sadd.s32 s1, s30  }
0xbb: {  	s0 =	sor.u32 s3, s0;
	s1 =	sshll.u32 s1, $0x11  }
0xbc: {  	s0 =	sor.u32 s1, s0  }
0xbd: {  	s0 =	sadd.s32 $0x8F2B, s0  }
0xbe: {  	[sflag:s0] =	ssyncadd.remote.s32 $0x1  }
0xbf: {  	_ =	sfence.sel $0xFFFF  }
0xc0: {  	[dreg:$0x0] =	wrdreg $0xFFFFFFFF;
	(pc) =	sbr.abs _section_cstart, $3  }
0xc1: {  	[dreg:$0x1] =	wrdreg $0xFFFFFFFF  }
0xc2: {  	_ =	task.clear_ibuf [dreg:s7], $0x2FFFF;
	_ =	strace $0x9FFFFFFF  }
0xc3: {  	(tm) =	ssettm $0x7FFFFFFF  }
tec
execute0_lowered:
.L_overlay_start_1:
0x0: {  	(tag) =	ssettag $0x1  }
0x1: {  	s2 =	rddreg [dreg:$0x0]  }
0x2: {  	s0 =	rddreg [dreg:$0x1]  }
0x3: {  	s3 =	rddreg [dreg:$0x2]  }
0x4: {  	s7 =	stileid.u32;
	s1 =	srdreg.scid;
	s5 =	simm.s32 $0x0  }
0x5: {  	s15 =	simm.s32 $0x4000;
	s16 =	simm.s32 $0x5;
	s17 =	simm.s32 $0x1  }
0x6: {  	s18 =	simm.s32 $0x80;
	s19 =	simm.s32 $0x400;
	s20 =	simm.s32 $0x4780  }
0x7: {  	s21 =	simm.s32 $0x4F00;
	s22 =	simm.s32 $0x780;
	s23 =	simm.s32 $0x2  }
0x8: {  	s24 =	simm.s32 $0x3;
	s25 =	simm.s32 $0x4;
	s4 =	smul.u32 $0xF0, s7  }
0x9: {  	s1 =	sand.u32 $0x1, s1;
	[smem:$0x7FF] =	sst s5;
	s5 =	smul.u32 $0x1E000, s7  }
0xa: {  	s8 =	sshll.u32 s7, $0x10;
	s9 =	sshll.u32 s7, $0x16;
	s26 =	ssub.s32 $0x2, s1  }
0xb: {  	_ =	strace $0x80000047;
	s10 =	smul.u32 $0xF000, s1;
	s7 =	sadd.s32 s8, s3  }
0xc: {  	s28 =	sand.u32 $0x3000000, s9;
	s11 =	sand.u32 $0x30000, s8;
	s30 =	sshll.u32 s1, $0x17  }
0xd: {  	s8 =	sshll.u32 s1, $0x5;
	s1 =	sshll.u32 s1, $0xC;
	s4 =	sadd.s32 s4, s0  }
0xe: {  	s6 =	sshrl.u32 s26, $0x1;
	s0 =	sadd.s32 $0x1A00, s0;
	s12 =	sadd.s32 $0x8000, s7  }
0xf: {  	s13 =	sadd.s32 $0xC000, s7;
	s6 =	ssub.s32 s26, s6;
	s4 =	sadd.s32 $0xA00, s4  }
0x10: {  	s29 =	sadd.s32 s10, s5;
	[dreg:$0x6] =	wrdreg s4;
	s4 =	sor.u32 s30, s28  }
0x11: {  	s9 =	sshrl.u32 s29, $0x3;
	s10 =	smax.u32 s6, $0x1;
	s4 =	sor.u32 s11, s4  }
0x12: {  	s9 =	sadd.s32 s2, s9;
	s31 =	sshrl.u32 s4, $0x3;
	s4 =	sor.u32 $0x40000, s4  }
0x13: {  	[dreg:$0x7] =	wrdreg s9;
	s6 =	sadd.s32 s31, s0;
	s4 =	sshrl.u32 s4, $0x3  }
0x14: {  	s14 =	sor.u32 $0x80, s1;
	[dreg:$0x4] =	wrdreg s6;
	s0 =	sadd.s32 s4, s0  }
0x15: {  	v0 =	vimm.f32 $0.0e+00;
	s26 =	simm.s32 $0x0;
	s11 =	sadd.s32 $0x4000, s7;
	[dreg:$0x5] =	wrdreg s0  }
.LBB2_1:
0x16: {  	s0 =	simm.s32 $0x0;
	s1 =	rddreg [dreg:$0x6]  }
0x17: {  	[tilespmem:s15], [sflag:$0x5] =	stream.linear.gather [hbm4b:s1+s0], $0x780, $0x38;
	[tilespmem:$0x15680] =	vst v63  }
0x18: {  	_ =	swait.ge [sflag:s16], $0x780  }
0x19: {  	[sflag:s16] =	ssyncset.done $0x0  }
0x1a: {  	s0 =	simm.s32 $0x40;
	s1 =	simm.s32 $0x0;
	[sflag:s16] =	ssyncadd.s32 $0xFFFFF880  }
.LBB2_2:
0x1b: {  	p0 =	sne.s32 s0, $0xFFC0;
	[tilespmem:s1+$0x0] =	vst v0;
	s1 =	smov.u32 s0;
	s0 =	sadd.s32 $0x40, s0  }
.Ltmp0:
0x1c: {  	(pc) =	sbr.rel @p0 .LBB2_2-.Ltmp0, $2  }
0x1d: {  	_ =	sdelay $0x2  }
0x1e: {  	s1 =	sshra.s32 s1, $0x2  }
0x1f: {  	[tilespmem:s1+$0x0] =	vst v0;
	s0 =	simm.s32 $0x0  }
0x20: {  	[spmem:s7] =	stream.linear.scatter [tilespmem:s0], [sflag:$0x1], $0x4000, $0x38;
	[tilespmem:$0x15680] =	vst v63  }
0x21: {  	_ = 	snop  }
0x22: {  	[spmem:s11] =	stream.linear.scatter [tilespmem:s0], [sflag:$0x1], $0x4000, $0x38;
	[tilespmem:$0x15680] =	vst v63  }
0x23: {  	_ = 	snop  }
0x24: {  	[spmem:s12] =	stream.linear.scatter [tilespmem:s0], [sflag:$0x1], $0x4000, $0x38;
	[tilespmem:$0x15680] =	vst v63  }
0x25: {  	_ = 	snop  }
0x26: {  	[spmem:s13] =	stream.linear.scatter [tilespmem:s0], [sflag:$0x1], $0x4000, $0x38;
	[tilespmem:$0x15680] =	vst v63  }
0x27: {  	_ =	swait.ge [sflag:s17], $0x4000  }
0x28: {  	[sflag:s17] =	ssyncset.done $0x0  }
0x29: {  	[sflag:s17] =	ssyncadd.s32 $0xFFFFC000  }
0x2a: {  	_ =	swait.ge [sflag:s17], $0x4000  }
0x2b: {  	[sflag:s17] =	ssyncset.done $0x0  }
0x2c: {  	[sflag:s17] =	ssyncadd.s32 $0xFFFFC000  }
0x2d: {  	_ =	swait.ge [sflag:s17], $0x4000  }
0x2e: {  	[sflag:s17] =	ssyncset.done $0x0  }
0x2f: {  	[sflag:s17] =	ssyncadd.s32 $0xFFFFC000  }
0x30: {  	_ =	swait.ge [sflag:s17], $0x4000  }
0x31: {  	s4 =	sshrl.u32 s8, $0x3;
	[sflag:s17] =	ssyncset.done $0x0  }
0x32: {  	s0 =	smul.u32 $0x3C00, s4;
	[sflag:s17] =	ssyncadd.s32 $0xFFFFC000  }
0x33: {  	[bflag:$0x0] =	sbarrier.arrive $0xFFFF  }
0x34: {  	s9 =	sand.u32 $0x380, s14;
	s0 =	sadd.s32 s5, s0;
	s6 =	rddreg [dreg:$0x7]  }
0x35: {  	[tilespmem:s20], [sflag:$0x5] =	stream.strided.gather [hbm4b:s6+s18], $0x780, s19, s18, $0x38;
	[tilespmem:$0x15680] =	vst v63  }
0x36: {  	s0 =	sor.u32 s9, s0;
	_ =	swait.ge [sflag:s16], $0x780  }
0x37: {  	s0 =	sshrl.u32 s0, $0x3;
	[sflag:s16] =	ssyncset.done $0x0  }
0x38: {  	s0 =	sadd.s32 s2, s0;
	[sflag:s16] =	ssyncadd.s32 $0xFFFFF880  }
0x39: {  	[tilespmem:s21], [sflag:$0x4] =	stream.strided.gather [hbm4b:s0+s18], $0x780, s19, s18, $0x38;
	[tilespmem:$0x15680] =	vst v63  }
0x3a: {  	_ = 	snop  }
0x3b: {  	[spmem:s3] =	stream.indirect.scatter [tilespmem:s20], [sflag:$0x2], $0x1, s15, s22, $0xb8;
	[tilespmem:$0x15680] =	vst v63  }
0x3c: {  	_ =	swait.ge [sflag:s23], $0x780  }
0x3d: {  	[sflag:s23] =	ssyncset.done $0x0  }
0x3e: {  	p0 =	slt.s32 s8, $0x3D;
	s4 =	stileid.u32;
	[sflag:s23] =	ssyncadd.s32 $0xFFFFF880  }
0x3f: {  	s1 =	sshll.u32 s4, $0x6;
	s4 =	smov.u32 s8;
	[bflag:$0x0] =	sbarrier.arrive $0xFFFF  }
0x40: {  	s28 =	sshrl.u32 s7, $0x3;
	s4 =	simm.s32 @!p0 $0x3D;
	s31 =	rddreg [dreg:$0x4]  }
0x41: {  	s29 =	sor.u32 $0x1C03, s1;
	s6 =	sadd.s32 $0x2, s4;
	s0 =	sadd.s32 $0x0, s31  }
0x42: {  	[hbm:s0], [sflag:s29] =	dma.local [spmem:s28], $0x2000  }
0x43: {  	s9 =	sshrl.u32 s6, $0x3;
	_ =	swait.ge [sflag:s24], $0x2000  }
0x44: {  	s1 =	smul.u32 $0x3C00, s9;
	[sflag:s24] =	ssyncset.done $0x0  }
0x45: {  	s0 =	sshll.u32 s6, $0x7;
	[sflag:s24] =	ssyncadd.s32 $0xFFFFE000  }
0x46: {  	s1 =	sadd.s32 s5, s1;
	s0 =	sand.u32 $0x380, s0;
	[bflag:$0x0] =	sbarrier.arrive $0xFFFF  }
0x47: {  	s0 =	sor.u32 s0, s1;
	_ =	swait.ge [sflag:s25], $0x780  }
0x48: {  	s0 =	sshrl.u32 s0, $0x3;
	[sflag:s25] =	ssyncset.done $0x0  }
0x49: {  	s0 =	sadd.s32 s2, s0;
	[sflag:s25] =	ssyncadd.s32 $0xFFFFF880  }
0x4a: {  	[tilespmem:s20], [sflag:$0x4] =	stream.strided.gather [hbm4b:s0+s18], $0x780, s19, s18, $0x38;
	[tilespmem:$0x15680] =	vst v63  }
0x4b: {  	_ = 	snop  }
0x4c: {  	[spmem:s3] =	stream.indirect.scatter [tilespmem:s21], [sflag:$0x2], $0x1, s15, s22, $0xb8;
	[tilespmem:$0x15680] =	vst v63  }
0x4d: {  	_ =	swait.ge [sflag:s23], $0x780  }
0x4e: {  	[sflag:s23] =	ssyncset.done $0x0  }
0x4f: {  	[sflag:s23] =	ssyncadd.s32 $0xFFFFF880  }
0x50: {  	s9 =	sadd.s32 $0x2, s8;
	[bflag:$0x0] =	sbarrier.arrive $0xFFFF  }
0x51: {  	s30 =	simm.s32 $0x10000;
	s4 =	sshrl.u32 s9, $0x3;
	s31 =	rddreg [dreg:$0x5]  }
0x52: {  	s1 =	smul.u32 $0x3C00, s4;
	s0 =	sadd.s32 $0x100, s14;
	s6 =	sadd.s32 $0x0, s31  }
0x53: {  	[hbm:s6], [sflag:s29] =	dma.local [spmem:s28], $0x2000  }
0x54: {  	s1 =	sadd.s32 s5, s1;
	s31 =	sand.u32 $0x380, s0;
	_ =	swait.ge [sflag:s24], $0x2000  }
0x55: {  	s4 =	simm.s32 $0x20000;
	s6 =	sor.u32 s31, s1;
	[sflag:s24] =	ssyncset.done $0x0  }
.LBB2_4:
0x56: {  	s6 =	sshrl.u32 s6, $0x3;
	[sflag:s24] =	ssyncadd.s32 $0xFFFFE000  }
0x57: {  	s6 =	sadd.s32 s2, s6;
	[bflag:$0x0] =	sbarrier.arrive $0xFFFF  }
0x58: {  	[tilespmem:s21], [sflag:$0x4] =	stream.strided.gather [hbm4b:s6+s18], $0x780, s19, s18, $0x38;
	[tilespmem:$0x15680] =	vst v63  }
0x59: {  	_ = 	snop  }
0x5a: {  	[spmem:s3] =	stream.indirect.scatter [tilespmem:s20], [sflag:$0x2], $0x1, s15, s22, $0xb8;
	[tilespmem:$0x15680] =	vst v63  }
0x5b: {  	_ =	swait.ge [sflag:s23], $0x780  }
0x5c: {  	[sflag:s23] =	ssyncset.done $0x0  }
0x5d: {  	[sflag:s23] =	ssyncadd.s32 $0xFFFFF880  }
0x5e: {  	[bflag:$0x0] =	sbarrier.arrive $0xFFFF  }
0x5f: {  	s31 =	rddreg [dreg:$0x4]  }
0x60: {  	p1 =	slt.s32 s9, $0x3D;
	s6 =	sadd.s32 s30, s31;
	s31 =	smov.u32 s9  }
0x61: {  	s31 =	simm.s32 @!p1 $0x3D  }
0x62: {  	[hbm:s6], [sflag:s29] =	dma.local [spmem:s28], $0x2000  }
0x63: {  	s6 =	sadd.s32 $0x2, s31  }
0x64: {  	_ =	swait.ge [sflag:s24], $0x2000;
	s31 =	sshrl.u32 s6, $0x3  }
0x65: {  	[sflag:s24] =	ssyncset.done $0x0;
	s31 =	smul.u32 $0x3C00, s31  }
0x66: {  	s6 =	sshll.u32 s6, $0x7;
	[sflag:s24] =	ssyncadd.s32 $0xFFFFE000  }
0x67: {  	s6 =	sand.u32 $0x380, s6;
	[bflag:$0x0] =	sbarrier.arrive $0xFFFF;
	s31 =	sadd.s32 s5, s31  }
0x68: {  	_ =	swait.ge [sflag:s25], $0x780;
	s6 =	sor.u32 s6, s31  }
0x69: {  	[sflag:s25] =	ssyncset.done $0x0;
	s6 =	sshrl.u32 s6, $0x3  }
0x6a: {  	[sflag:s25] =	ssyncadd.s32 $0xFFFFF880;
	s6 =	sadd.s32 s2, s6  }
0x6b: {  	[tilespmem:s20], [sflag:$0x4] =	stream.strided.gather [hbm4b:s6+s18], $0x780, s19, s18, $0x38;
	[tilespmem:$0x15680] =	vst v63  }
0x6c: {  	_ = 	snop  }
0x6d: {  	[spmem:s3] =	stream.indirect.scatter [tilespmem:s21], [sflag:$0x2], $0x1, s15, s22, $0xb8;
	[tilespmem:$0x15680] =	vst v63  }
0x6e: {  	_ =	swait.ge [sflag:s23], $0x780  }
0x6f: {  	[sflag:s23] =	ssyncset.done $0x0  }
0x70: {  	p0 =	sne.s32 s4, $0xF0000;
	s1 =	smov.u32 s4;
	[sflag:s23] =	ssyncadd.s32 $0xFFFFF880  }
0x71: {  	s4 =	sadd.s32 $0x10000, s4;
	s9 =	sadd.s32 $0x2, s9;
	[bflag:$0x0] =	sbarrier.arrive $0xFFFF  }
.Ltmp1:
0x72: {  	s31 =	sshrl.u32 s9, $0x3;
	s6 =	rddreg [dreg:$0x5];
	(pc) =	sbr.rel @p0 .LBB2_4-.Ltmp1, $4  }
0x73: {  	s0 =	sadd.s32 $0x100, s0;
	s31 =	smul.u32 $0x3C00, s31;
	s6 =	sadd.s32 s30, s6  }
0x74: {  	[hbm:s6], [sflag:s29] =	dma.local [spmem:s28], $0x2000  }
0x75: {  	s31 =	sadd.s32 s5, s31;
	s30 =	sand.u32 $0x380, s0;
	_ =	swait.ge [sflag:s24], $0x2000  }
0x76: {  	s6 =	sor.u32 s30, s31;
	s30 =	smov.u32 s1;
	[sflag:s24] =	ssyncset.done $0x0  }
0x77: {  	s0 =	sshrl.u32 s6, $0x3;
	[sflag:s24] =	ssyncadd.s32 $0xFFFFE000  }
0x78: {  	s0 =	sadd.s32 s2, s0;
	[bflag:$0x0] =	sbarrier.arrive $0xFFFF  }
0x79: {  	[tilespmem:s21], [sflag:$0x4] =	stream.strided.gather [hbm4b:s0+s18], $0x780, s19, s18, $0x38;
	[tilespmem:$0x15680] =	vst v63  }
0x7a: {  	_ = 	snop  }
0x7b: {  	[spmem:s3] =	stream.indirect.scatter [tilespmem:s20], [sflag:$0x2], $0x1, s15, s22, $0xb8;
	[tilespmem:$0x15680] =	vst v63  }
0x7c: {  	_ =	swait.ge [sflag:s23], $0x780  }
0x7d: {  	[sflag:s23] =	ssyncset.done $0x0  }
0x7e: {  	[sflag:s23] =	ssyncadd.s32 $0xFFFFF880  }
0x7f: {  	p0 =	slt.s32 s9, $0x3D;
	[bflag:$0x0] =	sbarrier.arrive $0xFFFF  }
0x80: {  	s9 =	simm.s32 @!p0 $0x3D;
	s6 =	rddreg [dreg:$0x4]  }
0x81: {  	s9 =	sadd.s32 $0x2, s9;
	s0 =	sadd.s32 s30, s6  }
0x82: {  	[hbm:s0], [sflag:s29] =	dma.local [spmem:s28], $0x2000  }
0x83: {  	s1 =	sshrl.u32 s9, $0x3;
	_ =	swait.ge [sflag:s24], $0x2000  }
0x84: {  	s1 =	smul.u32 $0x3C00, s1;
	[sflag:s24] =	ssyncset.done $0x0  }
0x85: {  	s0 =	sshll.u32 s9, $0x7;
	[sflag:s24] =	ssyncadd.s32 $0xFFFFE000  }
0x86: {  	s1 =	sadd.s32 s5, s1;
	s0 =	sand.u32 $0x380, s0;
	[bflag:$0x0] =	sbarrier.arrive $0xFFFF  }
0x87: {  	s0 =	sor.u32 s0, s1;
	_ =	swait.ge [sflag:s25], $0x780  }
0x88: {  	s0 =	sshrl.u32 s0, $0x3;
	[sflag:s25] =	ssyncset.done $0x0  }
0x89: {  	s0 =	sadd.s32 s2, s0;
	[sflag:s25] =	ssyncadd.s32 $0xFFFFF880  }
0x8a: {  	[tilespmem:s20], [sflag:$0x4] =	stream.strided.gather [hbm4b:s0+s18], $0x780, s19, s18, $0x38;
	[tilespmem:$0x15680] =	vst v63  }
0x8b: {  	_ = 	snop  }
0x8c: {  	[spmem:s3] =	stream.indirect.scatter [tilespmem:s21], [sflag:$0x2], $0x1, s15, s22, $0xb8;
	[tilespmem:$0x15680] =	vst v63  }
0x8d: {  	_ =	swait.ge [sflag:s23], $0x780  }
0x8e: {  	[sflag:s23] =	ssyncset.done $0x0  }
0x8f: {  	[sflag:s23] =	ssyncadd.s32 $0xFFFFF880  }
0x90: {  	[bflag:$0x0] =	sbarrier.arrive $0xFFFF  }
0x91: {  	s31 =	rddreg [dreg:$0x5]  }
0x92: {  	s0 =	sadd.s32 s30, s31  }
0x93: {  	[hbm:s0], [sflag:s29] =	dma.local [spmem:s28], $0x2000  }
0x94: {  	s26 =	sadd.s32 $0x1, s26;
	_ =	swait.ge [sflag:s24], $0x2000  }
0x95: {  	p0 =	sne.s32 s26, s10;
	[sflag:s24] =	ssyncset.done $0x0  }
.Ltmp2:
0x96: {  	[sflag:s24] =	ssyncadd.s32 $0xFFFFE000;
	(pc) =	sbr.rel @p0 .LBB2_1-.Ltmp2, $4  }
0x97: {  	[bflag:$0x0] =	sbarrier.arrive $0xFFFF  }
0x98: {  	_ =	swait.ge [sflag:s25], $0x780  }
0x99: {  	[sflag:s25] =	ssyncset.done $0x0  }
0x9a: {  	[sflag:s25] =	ssyncadd.s32 $0xFFFFF880  }
0x9b: {  	_ =	sfence.sel $0x180000  }
0x9c: {  	[bflag:$0x0] =	sbarrier.arrive $0xFFFF  }
0x9d: {  	_ =	strace $0x90000047  }
0x9e: {  	s0 =	stileid.u32;
	[bflag:$0x2] =	sbarrier.arrive $0xFFFF  }
0x9f: {  	p0 =	sne.s32 s0, $0x0;
	s0 =	rddreg [dreg:$0x3]  }
0xa0: {  	s0 =	sadd.s32 @!p0 $0x100000, s0  }
0xa1: {  	[sflag:s0] =	ssyncadd.tile.s32 @!p0 $0x1;
	_ =	shalt  }
.Lfunc_end2:
_tile_overlayer_lowered:
.L_overlay_start_2:
0xa2: {  	(tag) =	ssettag $0x2  }
0xa3: {  	s0 =	rddreg [dreg:$0x0];
	s2 =	stileid.u32  }
0xa4: {  	s1 =	rddreg [dreg:$0x1];
	p0 =	sne.s32 s2, $0x0  }
0xa5: {  	s3 =	rddreg [dreg:$0x2];
	[bflag:$0x3] =	sbarrier.arrive $0xFFFF;
	s2 =	simm.s32 @!p0 $0x1C05  }
0xa6: {  	[timem:s3], [sflag:s2] =	dma.local @!p0 [hbm:s0], s1  }
0xa7: {  	s0 =	simm.s32 @!p0 $0x5  }
0xa8: {  	_ =	swait.ge @!p0 [sflag:s0], s1  }
0xa9: {  	s1 =	ssub.s32 @!p0 $0x0, s1;
	[sflag:s0] =	ssyncset.done @!p0 $0x0  }
0xaa: {  	[sflag:s0] =	ssyncadd.s32 @!p0 s1  }
0xab: {  	[bflag:$0x3] =	sbarrier.arrive $0xFFFF  }
0xac: {  	_ =	shalt  }

</sc_bundles>
